<compile_context>
chip_gen: v7x
topology: tpu7x:2x2x1
jax: 0.10.2.dev20260603
libtpu: 0.0.44.dev20260713+nightly
codegen_flags: <defaults>
</compile_context>

<pallas_src>
import functools

import jax
import jax.numpy as jnp
from jax import lax
from jax.experimental import pallas as pl
from jax.experimental.pallas import tpu as pltpu
from jax.experimental.pallas import tpu_sc as plsc

NC = 2
NS = 16
NW = NC * NS

NJ = 26
NI = 16384
D = 32
B = NI * NJ

RPW = B // NW
GR = 1024
NG = RPW // GR

mesh = plsc.VectorSubcoreMesh(core_axis_name="c", subcore_axis_name="s")


@functools.partial(
    pl.kernel,
    mesh=mesh,
    out_type=jax.ShapeDtypeStruct((B, D), jnp.float32),
    scratch_types=[
        pltpu.VMEM((RPW,), jnp.int32),
        pltpu.VMEM((GR, D), jnp.float32),
        pltpu.VMEM((GR, D), jnp.float32),
        pltpu.SemaphoreType.DMA,
        pltpu.SemaphoreType.DMA,
        pltpu.SemaphoreType.DMA,
        pltpu.SemaphoreType.DMA,
    ],
    compiler_params=pltpu.CompilerParams(use_tc_tiling_on_sc=False),
)
def _gather(idxf, wt, inter, ixv, g0, g1, sg0, sg1, sw0, sw1):
    wid = lax.axis_index("s") * NC + lax.axis_index("c")
    base = wid * RPW
    pltpu.sync_copy(idxf.at[pl.ds(base, RPW)], ixv)

    def g_copy(g, gv, sem):
        return pltpu.make_async_copy(
            wt.at[ixv.at[pl.ds(g * GR, GR)]], gv, sem
        )

    def w_copy(g, gv, sem):
        return pltpu.make_async_copy(
            gv, inter.at[pl.ds(base + g * GR, GR)], sem
        )

    g_copy(0, g0, sg0).start()

    def body(g, _):
        @pl.when(lax.rem(g, 2) == 0)
        def _():
            @pl.when(g + 1 < NG)
            def _():
                @pl.when(g >= 1)
                def _():
                    w_copy(g - 1, g1, sw1).wait()

                g_copy(g + 1, g1, sg1).start()

            g_copy(g, g0, sg0).wait()
            w_copy(g, g0, sw0).start()

        @pl.when(lax.rem(g, 2) == 1)
        def _():
            @pl.when(g + 1 < NG)
            def _():
                w_copy(g - 1, g0, sw0).wait()
                g_copy(g + 1, g0, sg0).start()

            g_copy(g, g1, sg1).wait()
            w_copy(g, g1, sw1).start()

        return ()

    lax.fori_loop(0, NG, body, ())
    w_copy(NG - 2, g0, sw0).wait()
    w_copy(NG - 1, g1, sw1).wait()


RCH = 512
NCH = NI // (4 * RCH)


def _tc_body(in_ref, out_ref):
    x = in_ref[...]
    xt = x.T.reshape(4, D, RCH)
    out_ref[...] = xt.transpose(1, 0, 2).reshape(1, D, 4 * RCH)


_transpose = pl.pallas_call(
    _tc_body,
    out_shape=jax.ShapeDtypeStruct((NJ, D, NI), jnp.float32),
    grid=(NJ, NCH),
    in_specs=[pl.BlockSpec((RCH, 128), lambda j, t: (j * NCH + t, 0))],
    out_specs=pl.BlockSpec((1, D, 4 * RCH), lambda j, t: (j, 0, t)),
)


def kernel(idx, weight):
    idxp = (
        idx.T.reshape(NJ, NCH, 4, RCH)
        .transpose(0, 1, 3, 2)
        .reshape(-1)
        .astype(jnp.int32)
    )
    inter = _gather(idxp, weight)
    o3 = _transpose(inter.reshape(B // 4, 128))
    return o3.transpose(2, 0, 1)

# --- scband reference (transcript-rebuilt; emitter-appended) ---
"""Pipeline reference for scband-embedding-13752485281920 (READ-ONLY COPY).

The authoritative reference and input builder live on the scoring server;
editing this copy changes nothing except your own understanding.
"""

import jax, jax.numpy as jnp
import numpy as np

NUM_EMBEDDINGS = 1000000
EMBEDDING_DIM = 32

def setup_inputs(seed: int = 0) -> dict:
    key = jax.random.key(seed)
    k_idx, k_w = jax.random.split(key)
    idx = jax.random.randint(k_idx, (16384, 26), 0, NUM_EMBEDDINGS, dtype=jnp.int64 if jax.config.read('jax_enable_x64') else jnp.int32)
    weight = jax.random.normal(k_w, (NUM_EMBEDDINGS, EMBEDDING_DIM), dtype=jnp.float32)
    return {"idx": idx, "weight": weight}

def reference(idx, weight):
    # Embedding lookup: weight[idx] -> gather along axis 0
    return jnp.take(weight, idx, axis=0)

if __name__ == "__main__":
    import jax
    _d = setup_inputs()
    print(jax.jit(kernel)(*tuple(_d.values())))

</pallas_src>

<mosaic_0001>
#map = affine_map<(d0, d1) -> (0)>
#map1 = affine_map<(d0, d1) -> (0, 0)>
module attributes {stable_mosaic.version = 14 : i64} {
  func.func @_gather(%arg0: i32, %arg1: i32, %arg2: memref<425984xi32, #tpu.memory_space<hbm>>, %arg3: memref<1000000x32xf32, #tpu.memory_space<hbm>>, %arg4: memref<425984x32xf32, #tpu.memory_space<hbm>>, %arg5: memref<13312xi32, #tpu.memory_space<vmem>>, %arg6: memref<1024x32xf32, #tpu.memory_space<vmem>>, %arg7: memref<1024x32xf32, #tpu.memory_space<vmem>>, %arg8: memref<!tpu.dma_semaphore, #tpu.memory_space<semaphore_mem>>, %arg9: memref<!tpu.dma_semaphore, #tpu.memory_space<semaphore_mem>>, %arg10: memref<!tpu.dma_semaphore, #tpu.memory_space<semaphore_mem>>, %arg11: memref<!tpu.dma_semaphore, #tpu.memory_space<semaphore_mem>>) attributes {dimension_semantics = [#tpu.dimension_semantics<core_parallel>, #tpu.dimension_semantics<subcore_parallel>], iteration_bounds = array<i64: 2, 16>, scalar_prefetch = 0 : i64, scratch_operands = 7 : i64, tpu.core_type = #tpu.core_type<sc_vector_subcore>, window_params = [{transform_indices = #map}, {transform_indices = #map1}, {transform_indices = #map1}]} {
    %mul3A = arith.constant 2 : i32
    %mul3A_0 = arith.muli %arg1, %mul3A : i32
    %add3A = arith.addi %mul3A_0, %arg0 : i32
    %mul3A_1 = arith.constant 13312 : i32
    %mul3A_2 = arith.muli %add3A, %mul3A_1 : i32
    "tpu.region"() ({
      %run_scoped3A = tpu.sem_alloc : memref<!tpu.dma_semaphore, #tpu.memory_space<semaphore_mem>>
      %dma_start3A_22 = tpu.memref_slice %arg2[%mul3A_2] : memref<425984xi32, #tpu.memory_space<hbm>> -> memref<13312xi32, #tpu.memory_space<hbm>>
      %dma_start3A_23 = tpu.memref_slice %arg2[%mul3A_2] : memref<425984xi32, #tpu.memory_space<hbm>> -> memref<13312xi32, #tpu.memory_space<hbm>>
      tpu.enqueue_dma source(%dma_start3A_23 : memref<13312xi32, #tpu.memory_space<hbm>>) target(%arg5 : memref<13312xi32, #tpu.memory_space<vmem>>) target_semaphore(%run_scoped3A : memref<!tpu.dma_semaphore, #tpu.memory_space<semaphore_mem>>)
      %dma_wait3A_24 = tpu.memref_slice %arg2[%mul3A_2] : memref<425984xi32, #tpu.memory_space<hbm>> -> memref<13312xi32, #tpu.memory_space<hbm>>
      %dma_wait3A_25 = tpu.memref_slice %arg2[%mul3A_2] : memref<425984xi32, #tpu.memory_space<hbm>> -> memref<13312xi32, #tpu.memory_space<hbm>>
      tpu.wait_dma2 semaphore(%run_scoped3A : memref<!tpu.dma_semaphore, #tpu.memory_space<semaphore_mem>>) src(%dma_wait3A_25 : memref<13312xi32, #tpu.memory_space<hbm>>) dst(%arg5 : memref<13312xi32, #tpu.memory_space<vmem>>)
      tpu.yield
    }) : () -> ()
    %dma_start3A = arith.constant 0 : i32
    %dma_start3A_3 = tpu.memref_slice %arg5[%dma_start3A] : memref<13312xi32, #tpu.memory_space<vmem>> -> memref<1024xi32, #tpu.memory_space<vmem>>
    %dma_start3A_4 = arith.constant 0 : i32
    %dma_start3A_5 = arith.constant 0 : i32
    %dma_start3A_6 = tpu.memref_slice %arg3[%dma_start3A_4, %dma_start3A_5] : memref<1000000x32xf32, #tpu.memory_space<hbm>> -> memref<1000000x32xf32, #tpu.memory_space<hbm>>
    tpu.enqueue_indirect_dma source(%dma_start3A_6 : memref<1000000x32xf32, #tpu.memory_space<hbm>>) target(%arg6 : memref<1024x32xf32, #tpu.memory_space<vmem>>) offsets(%dma_start3A_3 : memref<1024xi32, #tpu.memory_space<vmem>>) semaphore(%arg8 : memref<!tpu.dma_semaphore, #tpu.memory_space<semaphore_mem>>)
    %scan3A = arith.constant 0 : i32
    %scan3A_7 = arith.constant 13 : i32
    %scan3A_8 = arith.addi %scan3A, %scan3A_7 : i32
    %scan3A_9 = arith.constant 1 : i32
    scf.for %scan3A_22 = %scan3A to %scan3A_8 step %scan3A_9  : i32 {
      %rem3A = arith.constant 2 : i32
      %rem3A_23 = arith.remsi %scan3A_22, %rem3A : i32
      %eq3A = arith.constant 0 : i32
      %eq3A_24 = arith.cmpi eq, %rem3A_23, %eq3A : i32
      %convert_element_type3A = arith.extui %eq3A_24 : i1 to i32
      %cond3A = arith.constant 0 : i32
      %cond3A_25 = arith.cmpi ne, %convert_element_type3A, %cond3A : i32
      scf.if %cond3A_25 {
        %add3A_33 = arith.constant 1 : i32
        %add3A_34 = arith.addi %scan3A_22, %add3A_33 : i32
        %lt3A = arith.constant 13 : i32
        %lt3A_35 = arith.cmpi slt, %add3A_34, %lt3A : i32
        %convert_element_type3A_36 = arith.extui %lt3A_35 : i1 to i32
        %cond3A_37 = arith.constant 0 : i32
        %cond3A_38 = arith.cmpi ne, %convert_element_type3A_36, %cond3A_37 : i32
        scf.if %cond3A_38 {
          %ge3A = arith.constant 1 : i32
          %ge3A_52 = arith.cmpi sge, %scan3A_22, %ge3A : i32
          %convert_element_type3A_53 = arith.extui %ge3A_52 : i1 to i32
          %cond3A_54 = arith.constant 0 : i32
          %cond3A_55 = arith.cmpi ne, %convert_element_type3A_53, %cond3A_54 : i32
          scf.if %cond3A_55 {
            %sub3A = arith.constant 1 : i32
            %sub3A_64 = arith.subi %scan3A_22, %sub3A : i32
            %mul3A_65 = arith.constant 1024 : i32
            %mul3A_66 = arith.muli %sub3A_64, %mul3A_65 : i32
            %add3A_67 = arith.addi %mul3A_2, %mul3A_66 : i32
            %dma_wait3A_68 = arith.constant 0 : i32
            %dma_wait3A_69 = tpu.memref_slice %arg4[%add3A_67, %dma_wait3A_68] : memref<425984x32xf32, #tpu.memory_space<hbm>> -> memref<1024x32xf32, #tpu.memory_space<hbm>>
            %dma_wait3A_70 = arith.constant 0 : i32
            %dma_wait3A_71 = tpu.memref_slice %arg4[%add3A_67, %dma_wait3A_70] : memref<425984x32xf32, #tpu.memory_space<hbm>> -> memref<1024x32xf32, #tpu.memory_space<hbm>>
            tpu.wait_dma2 semaphore(%arg11 : memref<!tpu.dma_semaphore, #tpu.memory_space<semaphore_mem>>) src(%arg7 : memref<1024x32xf32, #tpu.memory_space<vmem>>) dst(%dma_wait3A_71 : memref<1024x32xf32, #tpu.memory_space<hbm>>)
          } else {
          }
          %add3A_56 = arith.constant 1 : i32
          %add3A_57 = arith.addi %scan3A_22, %add3A_56 : i32
          %mul3A_58 = arith.constant 1024 : i32
          %mul3A_59 = arith.muli %add3A_57, %mul3A_58 : i32
          %dma_start3A_60 = tpu.memref_slice %arg5[%mul3A_59] : memref<13312xi32, #tpu.memory_space<vmem>> -> memref<1024xi32, #tpu.memory_space<vmem>>
          %dma_start3A_61 = arith.constant 0 : i32
          %dma_start3A_62 = arith.constant 0 : i32
          %dma_start3A_63 = tpu.memref_slice %arg3[%dma_start3A_61, %dma_start3A_62] : memref<1000000x32xf32, #tpu.memory_space<hbm>> -> memref<1000000x32xf32, #tpu.memory_space<hbm>>
          tpu.enqueue_indirect_dma source(%dma_start3A_63 : memref<1000000x32xf32, #tpu.memory_space<hbm>>) target(%arg7 : memref<1024x32xf32, #tpu.memory_space<vmem>>) offsets(%dma_start3A_60 : memref<1024xi32, #tpu.memory_space<vmem>>) semaphore(%arg9 : memref<!tpu.dma_semaphore, #tpu.memory_space<semaphore_mem>>)
        } else {
        }
        %mul3A_39 = arith.constant 1024 : i32
        %mul3A_40 = arith.muli %scan3A_22, %mul3A_39 : i32
        %dma_wait3A_41 = tpu.memref_slice %arg5[%mul3A_40] : memref<13312xi32, #tpu.memory_space<vmem>> -> memref<1024xi32, #tpu.memory_space<vmem>>
        %dma_wait3A_42 = arith.constant 0 : i32
        %dma_wait3A_43 = arith.constant 0 : i32
        %dma_wait3A_44 = tpu.memref_slice %arg3[%dma_wait3A_42, %dma_wait3A_43] : memref<1000000x32xf32, #tpu.memory_space<hbm>> -> memref<1000000x32xf32, #tpu.memory_space<hbm>>
        tpu.wait_indirect_dma semaphore(%arg8 : memref<!tpu.dma_semaphore, #tpu.memory_space<semaphore_mem>>) src(%dma_wait3A_44 : memref<1000000x32xf32, #tpu.memory_space<hbm>>) dst(%arg6 : memref<1024x32xf32, #tpu.memory_space<vmem>>)
        %mul3A_45 = arith.constant 1024 : i32
        %mul3A_46 = arith.muli %scan3A_22, %mul3A_45 : i32
        %add3A_47 = arith.addi %mul3A_2, %mul3A_46 : i32
        %dma_start3A_48 = arith.constant 0 : i32
        %dma_start3A_49 = tpu.memref_slice %arg4[%add3A_47, %dma_start3A_48] : memref<425984x32xf32, #tpu.memory_space<hbm>> -> memref<1024x32xf32, #tpu.memory_space<hbm>>
        %dma_start3A_50 = arith.constant 0 : i32
        %dma_start3A_51 = tpu.memref_slice %arg4[%add3A_47, %dma_start3A_50] : memref<425984x32xf32, #tpu.memory_space<hbm>> -> memref<1024x32xf32, #tpu.memory_space<hbm>>
        tpu.enqueue_dma source(%arg6 : memref<1024x32xf32, #tpu.memory_space<vmem>>) target(%dma_start3A_51 : memref<1024x32xf32, #tpu.memory_space<hbm>>) target_semaphore(%arg10 : memref<!tpu.dma_semaphore, #tpu.memory_space<semaphore_mem>>)
      } else {
      }
      %rem3A_26 = arith.constant 2 : i32
      %rem3A_27 = arith.remsi %scan3A_22, %rem3A_26 : i32
      %eq3A_28 = arith.constant 1 : i32
      %eq3A_29 = arith.cmpi eq, %rem3A_27, %eq3A_28 : i32
      %convert_element_type3A_30 = arith.extui %eq3A_29 : i1 to i32
      %cond3A_31 = arith.constant 0 : i32
      %cond3A_32 = arith.cmpi ne, %convert_element_type3A_30, %cond3A_31 : i32
      scf.if %cond3A_32 {
        %add3A_33 = arith.constant 1 : i32
        %add3A_34 = arith.addi %scan3A_22, %add3A_33 : i32
        %lt3A = arith.constant 13 : i32
        %lt3A_35 = arith.cmpi slt, %add3A_34, %lt3A : i32
        %convert_element_type3A_36 = arith.extui %lt3A_35 : i1 to i32
        %cond3A_37 = arith.constant 0 : i32
        %cond3A_38 = arith.cmpi ne, %convert_element_type3A_36, %cond3A_37 : i32
        scf.if %cond3A_38 {
          %sub3A = arith.constant 1 : i32
          %sub3A_52 = arith.subi %scan3A_22, %sub3A : i32
          %mul3A_53 = arith.constant 1024 : i32
          %mul3A_54 = arith.muli %sub3A_52, %mul3A_53 : i32
          %add3A_55 = arith.addi %mul3A_2, %mul3A_54 : i32
          %dma_wait3A_56 = arith.constant 0 : i32
          %dma_wait3A_57 = tpu.memref_slice %arg4[%add3A_55, %dma_wait3A_56] : memref<425984x32xf32, #tpu.memory_space<hbm>> -> memref<1024x32xf32, #tpu.memory_space<hbm>>
          %dma_wait3A_58 = arith.constant 0 : i32
          %dma_wait3A_59 = tpu.memref_slice %arg4[%add3A_55, %dma_wait3A_58] : memref<425984x32xf32, #tpu.memory_space<hbm>> -> memref<1024x32xf32, #tpu.memory_space<hbm>>
          tpu.wait_dma2 semaphore(%arg10 : memref<!tpu.dma_semaphore, #tpu.memory_space<semaphore_mem>>) src(%arg6 : memref<1024x32xf32, #tpu.memory_space<vmem>>) dst(%dma_wait3A_59 : memref<1024x32xf32, #tpu.memory_space<hbm>>)
          %add3A_60 = arith.constant 1 : i32
          %add3A_61 = arith.addi %scan3A_22, %add3A_60 : i32
          %mul3A_62 = arith.constant 1024 : i32
          %mul3A_63 = arith.muli %add3A_61, %mul3A_62 : i32
          %dma_start3A_64 = tpu.memref_slice %arg5[%mul3A_63] : memref<13312xi32, #tpu.memory_space<vmem>> -> memref<1024xi32, #tpu.memory_space<vmem>>
          %dma_start3A_65 = arith.constant 0 : i32
          %dma_start3A_66 = arith.constant 0 : i32
          %dma_start3A_67 = tpu.memref_slice %arg3[%dma_start3A_65, %dma_start3A_66] : memref<1000000x32xf32, #tpu.memory_space<hbm>> -> memref<1000000x32xf32, #tpu.memory_space<hbm>>
          tpu.enqueue_indirect_dma source(%dma_start3A_67 : memref<1000000x32xf32, #tpu.memory_space<hbm>>) target(%arg6 : memref<1024x32xf32, #tpu.memory_space<vmem>>) offsets(%dma_start3A_64 : memref<1024xi32, #tpu.memory_space<vmem>>) semaphore(%arg8 : memref<!tpu.dma_semaphore, #tpu.memory_space<semaphore_mem>>)
        } else {
        }
        %mul3A_39 = arith.constant 1024 : i32
        %mul3A_40 = arith.muli %scan3A_22, %mul3A_39 : i32
        %dma_wait3A_41 = tpu.memref_slice %arg5[%mul3A_40] : memref<13312xi32, #tpu.memory_space<vmem>> -> memref<1024xi32, #tpu.memory_space<vmem>>
        %dma_wait3A_42 = arith.constant 0 : i32
        %dma_wait3A_43 = arith.constant 0 : i32
        %dma_wait3A_44 = tpu.memref_slice %arg3[%dma_wait3A_42, %dma_wait3A_43] : memref<1000000x32xf32, #tpu.memory_space<hbm>> -> memref<1000000x32xf32, #tpu.memory_space<hbm>>
        tpu.wait_indirect_dma semaphore(%arg9 : memref<!tpu.dma_semaphore, #tpu.memory_space<semaphore_mem>>) src(%dma_wait3A_44 : memref<1000000x32xf32, #tpu.memory_space<hbm>>) dst(%arg7 : memref<1024x32xf32, #tpu.memory_space<vmem>>)
        %mul3A_45 = arith.constant 1024 : i32
        %mul3A_46 = arith.muli %scan3A_22, %mul3A_45 : i32
        %add3A_47 = arith.addi %mul3A_2, %mul3A_46 : i32
        %dma_start3A_48 = arith.constant 0 : i32
        %dma_start3A_49 = tpu.memref_slice %arg4[%add3A_47, %dma_start3A_48] : memref<425984x32xf32, #tpu.memory_space<hbm>> -> memref<1024x32xf32, #tpu.memory_space<hbm>>
        %dma_start3A_50 = arith.constant 0 : i32
        %dma_start3A_51 = tpu.memref_slice %arg4[%add3A_47, %dma_start3A_50] : memref<425984x32xf32, #tpu.memory_space<hbm>> -> memref<1024x32xf32, #tpu.memory_space<hbm>>
        tpu.enqueue_dma source(%arg7 : memref<1024x32xf32, #tpu.memory_space<vmem>>) target(%dma_start3A_51 : memref<1024x32xf32, #tpu.memory_space<hbm>>) target_semaphore(%arg11 : memref<!tpu.dma_semaphore, #tpu.memory_space<semaphore_mem>>)
      } else {
      }
    }
    %scan3A_10 = arith.constant 13 : i32
    %add3A_11 = arith.constant 11264 : i32
    %add3A_12 = arith.addi %mul3A_2, %add3A_11 : i32
    %dma_wait3A = arith.constant 0 : i32
    %dma_wait3A_13 = tpu.memref_slice %arg4[%add3A_12, %dma_wait3A] : memref<425984x32xf32, #tpu.memory_space<hbm>> -> memref<1024x32xf32, #tpu.memory_space<hbm>>
    %dma_wait3A_14 = arith.constant 0 : i32
    %dma_wait3A_15 = tpu.memref_slice %arg4[%add3A_12, %dma_wait3A_14] : memref<425984x32xf32, #tpu.memory_space<hbm>> -> memref<1024x32xf32, #tpu.memory_space<hbm>>
    tpu.wait_dma2 semaphore(%arg10 : memref<!tpu.dma_semaphore, #tpu.memory_space<semaphore_mem>>) src(%arg6 : memref<1024x32xf32, #tpu.memory_space<vmem>>) dst(%dma_wait3A_15 : memref<1024x32xf32, #tpu.memory_space<hbm>>)
    %add3A_16 = arith.constant 12288 : i32
    %add3A_17 = arith.addi %mul3A_2, %add3A_16 : i32
    %dma_wait3A_18 = arith.constant 0 : i32
    %dma_wait3A_19 = tpu.memref_slice %arg4[%add3A_17, %dma_wait3A_18] : memref<425984x32xf32, #tpu.memory_space<hbm>> -> memref<1024x32xf32, #tpu.memory_space<hbm>>
    %dma_wait3A_20 = arith.constant 0 : i32
    %dma_wait3A_21 = tpu.memref_slice %arg4[%add3A_17, %dma_wait3A_20] : memref<425984x32xf32, #tpu.memory_space<hbm>> -> memref<1024x32xf32, #tpu.memory_space<hbm>>
    tpu.wait_dma2 semaphore(%arg11 : memref<!tpu.dma_semaphore, #tpu.memory_space<semaphore_mem>>) src(%arg7 : memref<1024x32xf32, #tpu.memory_space<vmem>>) dst(%dma_wait3A_21 : memref<1024x32xf32, #tpu.memory_space<hbm>>)
    return
  }
}

module attributes {stable_mosaic.version = 14 : i64} {
  func.func @_tc_body(%arg0: i32, %arg1: i32, %arg2: memref<512x128xf32, #tpu.memory_space<vmem>>, %arg3: memref<1x32x2048xf32, #tpu.memory_space<vmem>>) attributes {dimension_semantics = [#tpu.dimension_semantics<arbitrary>, #tpu.dimension_semantics<arbitrary>], iteration_bounds = array<i64: 26, 8>, scalar_prefetch = 0 : i64, scratch_operands = 0 : i64, tpu.core_type = #tpu.core_type<tc>, window_params = [{transform_indices = @transform_0, window_bounds = array<i64: 512, 128>}, {transform_indices = @transform_1, window_bounds = array<i64: 1, 32, 2048>}]} {
    %get3A = arith.constant 0 : index
    %get3A_0 = arith.constant 0 : index
    %get3A_1 = vector.load %arg2[%get3A, %get3A_0] : memref<512x128xf32, #tpu.memory_space<vmem>>, vector<512x128xf32>
    %transpose3A = tpu.transpose %get3A_1, [1, 0] : vector<512x128xf32> -> vector<128x512xf32>
    %reshape3A = vector.shape_cast %transpose3A : vector<128x512xf32> to vector<4x32x512xf32>
    %transpose3A_2 = tpu.transpose %reshape3A, [1, 0, 2] : vector<4x32x512xf32> -> vector<32x4x512xf32>
    %reshape3A_3 = vector.shape_cast %transpose3A_2 : vector<32x4x512xf32> to vector<1x32x2048xf32>
    %swap3A = arith.constant 0 : index
    %swap3A_4 = arith.constant 0 : index
    %swap3A_5 = arith.constant 0 : index
    %swap3A_6 = vector.load %arg3[%swap3A, %swap3A_4, %swap3A_5] : memref<1x32x2048xf32, #tpu.memory_space<vmem>>, vector<1x32x2048xf32>
    tpu.vector_store %arg3[%swap3A, %swap3A_4, %swap3A_5], %reshape3A_3 {strides = array<i32>} : memref<1x32x2048xf32, #tpu.memory_space<vmem>>, vector<1x32x2048xf32>,
    return
  }
  func.func @transform_0(%arg0: i32, %arg1: i32) -> (i32, i32) {
    %mul3A = arith.constant 8 : i32
    %mul3A_0 = arith.muli %arg0, %mul3A : i32
    %add3A = arith.addi %mul3A_0, %arg1 : i32
    %c0_i32 = arith.constant 0 : i32
    %c0_i32_1 = arith.constant 0 : i32
    return %add3A, %c0_i32 : i32, i32
  }
  func.func @transform_1(%arg0: i32, %arg1: i32) -> (i32, i32, i32) {
    %c0_i32 = arith.constant 0 : i32
    %c0_i32_0 = arith.constant 0 : i32
    return %arg0, %c0_i32, %arg1 : i32, i32, i32
  }
}

</mosaic_0001>

<sc_bundles>
// kernel: kernel.4.cloned.1.call-start
scs
__scs_entry_jumppad:
0x0: {  	(pc) =	sbr.rel $0x88, $3  }
0x1: {  	(tag) =	ssettag $0x0;
	lr =	simm.s32 $0x1  }
0x2: {  	[smem:$0x3F9F] =	sst lr;
	_ =	strace $0xD0000000  }
0x3: {  	_ = 	snop  }
0x4: {  	_ = 	snop  }
0x5: {  	_ = 	snop  }
0x6: {  	_ = 	snop  }
0x7: {  	_ = 	snop  }
__scs_overlays_trampoline_lowered:
0x8: {  	[smem:$0x3FAE] =	sst s0  }
0x9: {  	[smem:$0x3FAF] =	sst s1  }
0xa: {  	[smem:$0x3FB0] =	sst s2  }
0xb: {  	[smem:$0x3FB1] =	sst s3  }
0xc: {  	[smem:$0x3FB2] =	sst s4  }
0xd: {  	[smem:$0x3FB3] =	sst s5  }
0xe: {  	[smem:$0x3FB4] =	sst s6  }
0xf: {  	[smem:$0x3FB5] =	sst s7  }
0x10: {  	[smem:$0x3FB6] =	sst s8  }
0x11: {  	[smem:$0x3FB7] =	sst s9;
	s0 =	simm.s32 @!p0 $0x0  }
0x12: {  	s1 =	sld [smem:$0x3F9D];
	s0 =	simm.s32 @p0 $0x1  }
0x13: {  	[smem:$0x3FB8] =	sst s0;
	s0 =	simm.s32 @!p1 $0x0  }
0x14: {  	s2 =	sld [smem:$0x3F9C];
	s0 =	simm.s32 @p1 $0x1  }
0x15: {  	[smem:$0x3FB9] =	sst s0;
	s0 =	simm.s32 @!p2 $0x0  }
0x16: {  	s3 =	sld [smem:$0x3FDB];
	s0 =	simm.s32 @p2 $0x1  }
0x17: {  	s4 =	simm.s32 $0x1BF5;
	[smem:$0x3FBB] =	sst s0  }
0x18: {  	s0 =	sld [smem:$0x3F9E];
	_ =	swait.ge [sflag:s4], $0x0  }
0x19: {  	s7 =	sld [smem:$0x3F9F]  }
0x1a: {  	s8 =	sadd.s32 $0xFFFFE003, lr  }
0x1b: {  	s9 =	sadd.s32 $0xFFFFFEF7, lr;
	s5 =	simm.s32 $0xFFFFFFFF;
	p2 =	slt.u32 s8, $0xFFFFF086  }
0x1c: {  	p1 =	slt.u32 s9, $0xF7A;
	s5 =	simm.s32 @!p2 $0x0  }
0x1d: {  	s5 =	simm.s32 @p1 $0x1;
	p0 =	seq.s32 s7, s2  }
0x1e: {  	s7 =	smul.u32 @!p0 $0xF7A, s2;
	p2 =	seq.s32 @!p0 s5, $0x0  }
0x1f: {  	s9 =	smul.u32 $0xF7A, s1;
	s8 =	simm.s32 @!p0 $0x1BF5;
	p2 =	por !p2, p0  }
0x20: {  	[sflag:s8] =	ssyncset.s32 @!p0 $0xFFFFF086;
	s6 =	sadd.s32 @!p0 s3, s7;
	s7 =	simm.s32 @!p0 $0x108  }
0x21: {  	s3 =	sadd.s32 s3, s9;
	s6 =	sadd.s32 @!p0 $0x88, s6;
	s7 =	simm.s32 @p2 $0x1082  }
0x22: {  	[simem:s7], [sflag:s8] =	dma.local @!p0 [hbm:s6], $0xF7A  }
0x23: {  	s9 =	sor.u32 $0xD0000000, s2;
	s6 =	simm.s32 $0x108;
	_ =	swait.ge @!p0 [sflag:s8], $0x0  }
0x24: {  	s3 =	sadd.s32 $0x88, s3;
	s6 =	simm.s32 @!p1 $0x1082;
	[sflag:s4] =	ssyncset.s32 $0xFFFFF086  }
0x25: {  	[simem:s6], [sflag:s4] =	dma.local [hbm:s3], $0xF7A  }
0x26: {  	[smem:$0x3F9F] =	sst s1;
	(tag) =	ssettag s2;
	_ =	strace s9  }
0x27: {  	s1 =	sld [smem:$0x3FAF]  }
0x28: {  	s2 =	sld [smem:$0x3FB0]  }
0x29: {  	s4 =	sld [smem:$0x3FB2]  }
0x2a: {  	p0 =	seq.s32 s5, $0x0;
	s5 =	sld [smem:$0x3FB3]  }
0x2b: {  	s6 =	sld [smem:$0x3FB4]  }
0x2c: {  	s7 =	sld [smem:$0x3FB5]  }
0x2d: {  	s3 =	simm.s32 $0x108;
	s8 =	sld [smem:$0x3FB6]  }
0x2e: {  	s3 =	simm.s32 @!p0 $0x1082;
	s9 =	sld [smem:$0x3FB7]  }
0x2f: {  	lr =	sadd.s32 s0, s3;
	s0 =	sld [smem:$0x3FAE]  }
0x30: {  	s3 =	sld [smem:$0x3FB1]  }
0x31: {  	[smem:$0x3FBA] =	sst s10  }
0x32: {  	s10 =	sld [smem:$0x3FB8];
	_ =	sdelay $0x3  }
0x33: {  	p0 =	seq.s32 s10, $0x1;
	s10 =	sld [smem:$0x3FBA];
	_ =	sdelay $0x3  }
0x34: {  	[smem:$0x3FBA] =	sst s10  }
0x35: {  	s10 =	sld [smem:$0x3FB9];
	_ =	sdelay $0x3  }
0x36: {  	p1 =	seq.s32 s10, $0x1;
	s10 =	sld [smem:$0x3FBA];
	_ =	sdelay $0x3  }
0x37: {  	[smem:$0x3FBA] =	sst s10  }
0x38: {  	s10 =	sld [smem:$0x3FBB]  }
0x39: {  	_ = 	snop;
	(pc) =	sbr.ind lr, $3  }
0x3a: {  	_ = 	snop  }
0x3b: {  	_ = 	snop  }
0x3c: {  	p2 =	seq.s32 s10, $0x1;
	s10 =	sld [smem:$0x3FBA]  }
0x3d: {  	_ =	shalt  }
0x3e: {  	_ =	shalt  }
0x3f: {  	_ =	shalt  }
0x40: {  	_ =	shalt  }
0x41: {  	_ =	shalt  }
0x42: {  	_ =	shalt  }
0x43: {  	_ =	shalt  }
0x44: {  	_ =	shalt  }
0x45: {  	_ =	shalt  }
0x46: {  	_ =	shalt  }
0x47: {  	_ =	shalt  }
0x48: {  	_ =	shalt  }
0x49: {  	_ =	shalt  }
0x4a: {  	_ =	shalt  }
0x4b: {  	_ =	shalt  }
0x4c: {  	_ =	shalt  }
0x4d: {  	_ =	shalt  }
0x4e: {  	_ =	shalt  }
0x4f: {  	_ =	shalt  }
0x50: {  	_ =	shalt  }
0x51: {  	_ =	shalt  }
0x52: {  	_ =	shalt  }
0x53: {  	_ =	shalt  }
0x54: {  	_ =	shalt  }
0x55: {  	_ =	shalt  }
0x56: {  	_ =	shalt  }
0x57: {  	_ =	shalt  }
0x58: {  	_ =	shalt  }
0x59: {  	_ =	shalt  }
0x5a: {  	_ =	shalt  }
0x5b: {  	_ =	shalt  }
0x5c: {  	_ =	shalt  }
0x5d: {  	_ =	shalt  }
0x5e: {  	_ =	shalt  }
0x5f: {  	_ =	shalt  }
0x60: {  	_ =	shalt  }
0x61: {  	_ =	shalt  }
0x62: {  	_ =	shalt  }
0x63: {  	_ =	shalt  }
0x64: {  	_ =	shalt  }
0x65: {  	_ =	shalt  }
0x66: {  	_ =	shalt  }
0x67: {  	_ =	shalt  }
0x68: {  	_ =	shalt  }
0x69: {  	_ =	shalt  }
0x6a: {  	_ =	shalt  }
0x6b: {  	_ =	shalt  }
0x6c: {  	_ =	shalt  }
0x6d: {  	_ =	shalt  }
0x6e: {  	_ =	shalt  }
0x6f: {  	_ =	shalt  }
0x70: {  	_ =	shalt  }
0x71: {  	_ =	shalt  }
0x72: {  	_ =	shalt  }
0x73: {  	_ =	shalt  }
0x74: {  	_ =	shalt  }
0x75: {  	_ =	shalt  }
0x76: {  	_ =	shalt  }
0x77: {  	_ =	shalt  }
0x78: {  	_ =	shalt  }
0x79: {  	_ =	shalt  }
0x7a: {  	_ =	shalt  }
0x7b: {  	_ =	shalt  }
0x7c: {  	_ =	shalt  }
0x7d: {  	_ =	shalt  }
0x7e: {  	_ =	shalt  }
0x7f: {  	_ =	shalt  }
0x80: {  	_ =	shalt  }
0x81: {  	_ =	shalt  }
0x82: {  	_ =	shalt  }
0x83: {  	_ =	shalt  }
0x84: {  	_ =	shalt  }
0x85: {  	_ =	shalt  }
0x86: {  	_ =	shalt  }
0x87: {  	_ =	shalt  }
.Lfunc_end0:
.L_simem_size_0:
called_computation_lowered:
.L_overlay_start_0:
0x88: {  	s2 =	sld [smem:$0x3FD9]  }
0x89: {  	s3 =	sld [smem:$0x3FFE];
	_ =	sdelay $0x1  }
0x8a: {  	s1 =	srdreg.scid  }
0x8b: {  	s0 =	sand.u32 $0x1, s1  }
0x8c: {  	s16 =	sshll.u32 s0, $0xA;
	s2 =	sadd.s32 s3, s2  }
0x8d: {  	s2 =	sadd.s32 s2, s16  }
0x8e: {  	[smem:$0x3FC6] =	sst s2  }
0x8f: {  	_ = 	snop  }
0x90: {  	(tm) =	ssettm $0x1  }
0x91: {  	s17 =	sld [smem:$0x3FFB];
	_ =	sdelay $0x3  }
0x92: {  	_ =	strace s17  }
0x93: {  	s2 =	sld [smem:$0x3FFC];
	_ =	sdelay $0x3  }
0x94: {  	_ =	strace s2  }
0x95: {  	s2 =	sld [smem:$0x3FFD];
	_ =	sdelay $0x3  }
0x96: {  	_ =	strace s2  }
0x97: {  	_ =	strace $0x8FFFFFFF  }
0x98: {  	s18 =	sld [smem:$0x3FDB];
	_ =	sdelay $0x1  }
0x99: {  	s19 =	simm.s32 $_scs_section_size  }
0x9a: {  	s4 =	simm.s32 $_size__tile_overlayer_lowered;
	s5 =	simm.s32 $_tile_overlayer_lowered  }
0x9b: {  	s22 =	simm.s32 $0x1BFF;
	s21 =	sshll.u32 s5, $0x1;
	s2 =	sadd.s32 s19, s18  }
0x9c: {  	s6 =	simm.s32 $0x0;
	s20 =	sshll.u32 s4, $0x1;
	s4 =	sadd.s32 s21, s2  }
0x9d: {  	[timem:s6], [sflag:s22] =	dma.local [hbm:s4], s20  }
0x9e: {  	_ =	swait.ge [sflag:s22], s20  }
0x9f: {  	s3 =	ssub.s32 $0x0, s20;
	[sflag:s22] =	ssyncset.done $0x0  }
0xa0: {  	[sflag:s22] =	ssyncadd.s32 s3;
	_ =	sdelay $0x1  }
0xa1: {  	s23 =	simm.s32 $0x1B8B  }
0xa2: {  	_ =	swait.ge [sflag:s23], $0x1  }
0xa3: {  	[sflag:s23] =	ssyncset.done $0x0  }
0xa4: {  	s25 =	simm.s32 $0x1B8E;
	s24 =	sld [smem:$0x3FFE];
	[sflag:s23] =	ssyncadd.s32 $0xFFFFFFFF  }
0xa5: {  	s26 =	simm.s32 $execute0_lowered;
	[smem:$0x3FD2] =	sst s25  }
0xa6: {  	s4 =	sshll.u32 s26, $0x1;
	_ =	strace $0x80000046;
	[dreg:$0x1] =	wrdreg $0xFFFFFFFF  }
0xa7: {  	s28 =	simm.s32 $_size_execute0_lowered;
	s2 =	sadd.s32 s2, s4;
	[dreg:$0x0] =	wrdreg $0x0  }
0xa8: {  	s4 =	sshll.u32 s28, $0x1;
	[dreg:$0x2] =	wrdreg s2  }
0xa9: {  	[dreg:$0x3] =	wrdreg s4  }
0xaa: {  	[dreg:$0x4] =	wrdreg $0xC0  }
0xab: {  	_ =	task [dreg:s6], $0x5FFFF  }
0xac: {  	[dreg:$0x1] =	wrdreg $0xFFFFFFFF  }
0xad: {  	[dreg:$0x0] =	wrdreg $0x60  }
0xae: {  	[dreg:$0x2] =	wrdreg s24  }
0xaf: {  	[dreg:$0x3] =	wrdreg $0x9  }
0xb0: {  	_ =	task.clear_ibuf [dreg:s6], $0x4FFFF;
	_ =	strace $0x90000046  }
0xb1: {  	s29 =	simm.s32 $0x9;
	_ =	strace $0x80000048  }
0xb2: {  	_ =	swait.ge [sflag:s29], $0x1  }
0xb3: {  	[sflag:s29] =	ssyncadd.s32 $0xFFFFFFFF  }
0xb4: {  	_ =	strace $0x90000048  }
0xb5: {  	_ =	sfence  }
0xb6: {  	s30 =	sld [smem:$0x0];
	_ =	sdelay $0x2  }
0xb7: {  	s31 =	sshll.u32 s1, $0xD;
	s1 =	sshrl.u32 s1, $0x2  }
0xb8: {  	s3 =	sand.u32 $0x4000, s31;
	s1 =	sadd.s32 s1, s30  }
0xb9: {  	s0 =	sor.u32 s3, s0;
	s1 =	sshll.u32 s1, $0x11  }
0xba: {  	s0 =	sor.u32 s1, s0  }
0xbb: {  	s0 =	sadd.s32 $0x8F2B, s0  }
0xbc: {  	[sflag:s0] =	ssyncadd.remote.s32 $0x1  }
0xbd: {  	_ =	sfence.sel $0xFFFF  }
0xbe: {  	[dreg:$0x0] =	wrdreg $0xFFFFFFFF;
	(pc) =	sbr.abs _section_cstart, $3  }
0xbf: {  	[dreg:$0x1] =	wrdreg $0xFFFFFFFF  }
0xc0: {  	_ =	task.clear_ibuf [dreg:s6], $0x2FFFF;
	_ =	strace $0x9FFFFFFF  }
0xc1: {  	(tm) =	ssettm $0x7FFFFFFF  }
tec
execute0_lowered:
.L_overlay_start_1:
0x0: {  	(tag) =	ssettag $0x1  }
0x1: {  	s4 =	rddreg [dreg:$0x0]  }
0x2: {  	s0 =	rddreg [dreg:$0x1]  }
0x3: {  	s2 =	srdreg.scid;
	s1 =	stileid.u32  }
0x4: {  	s9 =	simm.s32 $0x3;
	s10 =	simm.s32 $0x400;
	s11 =	simm.s32 $0x2  }
0x5: {  	s12 =	simm.s32 $0xB400;
	s13 =	simm.s32 $0x4;
	s14 =	simm.s32 $0x1  }
0x6: {  	s3 =	sand.u32 $0x1, s2;
	s5 =	sshll.u32 s1, $0x1;
	s6 =	smul.u32 $0xD0000, s1  }
0x7: {  	s2 =	simm.s32 $0x0;
	s5 =	sor.u32 s3, s5;
	s7 =	smul.u32 $0x68000, s3  }
0x8: {  	s15 =	simm.s32 $0x0;
	[smem:$0x7FF] =	sst s2;
	s5 =	smul.u32 $0x680, s5  }
.Ltmp0:
0x9: {  	s31 =	ssub.s32 $0x2, s3;
	s3 =	sadd.s32 $0xF42A00, s4;
	(pc) =	sbr.rel .LBB2_1-.Ltmp0, $4  }
0xa: {  	_ =	strace $0x80000047;
	s8 =	sshrl.u32 s31, $0x1;
	s6 =	sadd.s32 s7, s6  }
0xb: {  	s7 =	ssub.s32 s31, s8;
	s5 =	sadd.s32 s5, s4;
	s6 =	sshrl.u32 s6, $0x3  }
0xc: {  	s8 =	simm.s32 $0x3400;
	s6 =	sadd.s32 s6, s4;
	s4 =	sadd.s32 $0x600, s5  }
0xd: {  	s5 =	smax.u32 s7, $0x1;
	s7 =	simm.s32 $0x5;
	s6 =	sadd.s32 $0xD600, s6  }
.LBB2_10:
0xe: {  	s15 =	sadd.s32 $0x1, s15  }
0xf: {  	_ =	swait.ge [sflag:s9], $0x8000;
	p0 =	sne.s32 s15, s5  }
.Ltmp1:
0x10: {  	[sflag:s9] =	ssyncset.done $0x0;
	(pc) =	sbr.rel @!p0 .LBB2_11-.Ltmp1, $4  }
0x11: {  	[sflag:s9] =	ssyncadd.s32 $0xFFFF8000  }
0x12: {  	_ =	swait.ge [sflag:s13], $0x8000  }
0x13: {  	[sflag:s13] =	ssyncset.done $0x0  }
0x14: {  	[sflag:s13] =	ssyncadd.s32 $0xFFFF8000  }
.LBB2_1:
0x15: {  	[tilespmem:s2], [sflag:$0x5] =	stream.linear.gather [hbm4b:s4+s2], $0x3400, $0x38;
	[tilespmem:$0x13400] =	vst v63  }
.Ltmp2:
0x16: {  	_ = 	snop;
	(pc) =	sbr.rel .LBB2_2-.Ltmp2, $4  }
0x17: {  	_ =	swait.ge [sflag:s7], $0x3400  }
0x18: {  	s16 =	simm.s32 $0x400;
	[sflag:s7] =	ssyncset.done $0x0  }
0x19: {  	s17 =	smov.u32 s6;
	s18 =	simm.s32 $0x0;
	[sflag:s7] =	ssyncadd.s32 $0xFFFFCC00  }
0x1a: {  	[tilespmem:s8], [sflag:$0x1] =	stream.indirect.gather [hbm4b:s3+s10], $0x20, s2, s10, $0xb8;
	[tilespmem:$0x13400] =	vst v63  }
.LBB2_8:
0x1b: {  	_ =	swait.ge [sflag:s9], $0x8000  }
0x1c: {  	[sflag:s9] =	ssyncset.done $0x0  }
0x1d: {  	[sflag:s9] =	ssyncadd.s32 $0xFFFF8000  }
0x1e: {  	[tilespmem:s8], [sflag:$0x1] =	stream.indirect.gather [hbm4b:s3+s10], $0x20, s16, s10, $0xb8;
	[tilespmem:$0x13400] =	vst v63  }
0x1f: {  	_ =	swait.ge [sflag:s11], $0x8000  }
0x20: {  	[sflag:s11] =	ssyncset.done $0x0  }
0x21: {  	[sflag:s11] =	ssyncadd.s32 $0xFFFF8000  }
0x22: {  	[hbm4b:s17+s2] =	stream.linear.scatter [tilespmem:s12], [sflag:$0x4], $0x8000, $0x38;
	[tilespmem:$0x13400] =	vst v63  }
.LBB2_9:
0x23: {  	s18 =	sadd.s32 $0x1, s18  }
0x24: {  	p0 =	sne.s32 s18, $0xD  }
.Ltmp3:
0x25: {  	_ = 	snop;
	(pc) =	sbr.rel @!p0 .LBB2_10-.Ltmp3, $2  }
0x26: {  	_ =	sdelay $0x2  }
0x27: {  	s17 =	sadd.s32 $0x1000, s17;
	s16 =	sadd.s32 $0x400, s16  }
.LBB2_2:
0x28: {  	s19 =	sand.u32 $0x1, s18  }
0x29: {  	p0 =	seq.s32 s19, $0x1  }
.Ltmp4:
0x2a: {  	_ = 	snop;
	(pc) =	sbr.rel @p0 .LBB2_8-.Ltmp4, $1  }
0x2b: {  	_ =	sdelay $0x3  }
0x2c: {  	p0 =	seq.s32 s18, $0x0  }
.Ltmp5:
0x2d: {  	_ = 	snop;
	(pc) =	sbr.rel @p0 .LBB2_6-.Ltmp5, $1  }
0x2e: {  	_ =	sdelay $0x3  }
0x2f: {  	p0 =	seq.s32 s18, $0xC  }
.Ltmp6:
0x30: {  	_ = 	snop;
	(pc) =	sbr.rel @p0 .LBB2_7-.Ltmp6, $1  }
0x31: {  	_ =	sdelay $0x3  }
0x32: {  	_ =	swait.ge [sflag:s13], $0x8000  }
0x33: {  	[sflag:s13] =	ssyncset.done $0x0  }
0x34: {  	[sflag:s13] =	ssyncadd.s32 $0xFFFF8000  }
.LBB2_6:
0x35: {  	[tilespmem:s12], [sflag:$0x2] =	stream.indirect.gather [hbm4b:s3+s10], $0x20, s16, s10, $0xb8;
	[tilespmem:$0x13400] =	vst v63  }
.LBB2_7:
.Ltmp7:
0x36: {  	(pc) =	sbr.rel .LBB2_9-.Ltmp7, $4  }
0x37: {  	_ =	swait.ge [sflag:s14], $0x8000  }
0x38: {  	[sflag:s14] =	ssyncset.done $0x0  }
0x39: {  	[sflag:s14] =	ssyncadd.s32 $0xFFFF8000  }
0x3a: {  	[hbm4b:s17+s2] =	stream.linear.scatter [tilespmem:s8], [sflag:$0x3], $0x8000, $0x38;
	[tilespmem:$0x13400] =	vst v63  }
.LBB2_11:
0x3b: {  	_ =	sfence.sel $0x180000  }
0x3c: {  	[bflag:$0x0] =	sbarrier.arrive $0xFFFF  }
0x3d: {  	p0 =	sne.s32 s1, $0x0;
	_ =	strace $0x90000047  }
0x3e: {  	s0 =	sadd.s32 @!p0 $0x100000, s0;
	[bflag:$0x2] =	sbarrier.arrive $0xFFFF  }
0x3f: {  	[sflag:s0] =	ssyncadd.tile.s32 @!p0 $0x1;
	_ =	shalt  }
.Lfunc_end2:
_tile_overlayer_lowered:
.L_overlay_start_2:
0x40: {  	(tag) =	ssettag $0x2  }
0x41: {  	s0 =	rddreg [dreg:$0x0];
	s2 =	stileid.u32  }
0x42: {  	s1 =	rddreg [dreg:$0x1];
	p0 =	sne.s32 s2, $0x0  }
0x43: {  	s3 =	rddreg [dreg:$0x2];
	[bflag:$0x3] =	sbarrier.arrive $0xFFFF;
	s2 =	simm.s32 @!p0 $0x1C05  }
0x44: {  	[timem:s3], [sflag:s2] =	dma.local @!p0 [hbm:s0], s1  }
0x45: {  	s0 =	simm.s32 @!p0 $0x5  }
0x46: {  	_ =	swait.ge @!p0 [sflag:s0], s1  }
0x47: {  	s1 =	ssub.s32 @!p0 $0x0, s1;
	[sflag:s0] =	ssyncset.done @!p0 $0x0  }
0x48: {  	[sflag:s0] =	ssyncadd.s32 @!p0 s1  }
0x49: {  	[bflag:$0x3] =	sbarrier.arrive $0xFFFF  }
0x4a: {  	_ =	shalt  }

</sc_bundles>
